<compile_context>
chip_gen: v7x
topology: tpu7x:2x2x1
jax: 0.10.2.dev20260603
libtpu: 0.0.44.dev20260713+nightly
codegen_flags: <defaults>
</compile_context>

<pallas_src>
import functools

import jax
import jax.numpy as jnp
from jax import lax
from jax.experimental import pallas as pl
from jax.experimental.pallas import tpu as pltpu
from jax.experimental.pallas import tpu_sc as plsc

L = 16


def _make_lookup(R, C, V, num_cores, num_subcores):
    NW = num_cores * num_subcores
    cols_w = C // NW
    vregs_row = cols_w // L
    mesh = plsc.VectorSubcoreMesh(core_axis_name="c", subcore_axis_name="s")

    @functools.partial(
        pl.kernel,
        mesh=mesh,
        out_type=jax.ShapeDtypeStruct((R, C), jnp.int32),
        scratch_types=[
            pltpu.VMEM((V,), jnp.int32),
            pltpu.VMEM((R, cols_w), jnp.int32),
            pltpu.VMEM((R, cols_w), jnp.int32),
            pltpu.SemaphoreType.DMA,
            pltpu.SemaphoreType.DMA,
            pltpu.SemaphoreType.DMA,
        ],
        compiler_params=pltpu.CompilerParams(needs_layout_passes=False),
    )
    def k(tok_hbm, tab_hbm, out_hbm, tab_v, tok_v, out_v, sem_tab, sem_tok, sem_out):
        wid = lax.axis_index("s") * num_cores + lax.axis_index("c")
        c0 = wid * cols_w

        tab_cp = pltpu.async_copy(tab_hbm, tab_v, sem_tab)
        tok_cp = pltpu.async_copy(tok_hbm.at[:, pl.ds(c0, cols_w)], tok_v, sem_tok)
        tab_cp.wait()
        tok_cp.wait()

        nchunk = 5
        rchunk = R // nchunk

        def chunk_body(ci, carry):
            r0 = ci * rchunk

            @plsc.parallel_loop(r0, r0 + rchunk, 1, unroll=4)
            def body(r):
                for j in range(vregs_row):
                    t = tok_v[r, pl.ds(j * L, L)]
                    idx = lax.shift_right_logical(t, 1)
                    out_v[r, pl.ds(j * L, L)] = plsc.load_gather(tab_v, [idx])

            pltpu.async_copy(
                out_v.at[pl.ds(r0, rchunk)],
                out_hbm.at[pl.ds(r0, rchunk), pl.ds(c0, cols_w)],
                sem_out,
            )
            return carry

        lax.fori_loop(0, nchunk, chunk_body, 0)
        for ci in range(nchunk):
            pltpu.make_async_copy(
                out_v.at[pl.ds(ci * rchunk, rchunk)],
                out_hbm.at[pl.ds(ci * rchunk, rchunk), pl.ds(c0, cols_w)],
                sem_out,
            ).wait()

    return k


def kernel(tokens, table):
    R, C = tokens.shape
    V = table.shape[0]
    info = plsc.get_sparse_core_info()
    k = _make_lookup(C, R, V, info.num_cores, info.num_subcores)
    out_t = k(tokens.T, table)
    return out_t.T

# --- scband reference (transcript-rebuilt; emitter-appended) ---
"""Pipeline reference for scband-word-lookup-7499012899047 (READ-ONLY COPY).

The authoritative reference and input builder live on the scoring server;
editing this copy changes nothing except your own understanding.
"""

import jax, jax.numpy as jnp
import numpy as np

HASH_SPACE = 100000
TABLE_SIZE = 50000
UNKNOWN_WORD = 0


def setup_inputs(seed: int = 0) -> dict:
    key = jax.random.key(seed)
    k1, k2, k3 = jax.random.split(key, 3)
    # raw token ids (stand-in for hashed utf-8 token strings)
    tokens = jax.random.randint(k1, (4096, 200), 0, HASH_SPACE, dtype=jnp.int32)
    # static hash table: line-number word ids keyed by normalized token id.
    # Entries are word ids in [0, TABLE_SIZE); a fraction map to UNKNOWN_WORD
    # to emulate out-of-vocabulary tokens after normalization.
    raw_table = jax.random.randint(k2, (TABLE_SIZE,), 0, TABLE_SIZE, dtype=jnp.int32)
    oov_mask = jax.random.uniform(k3, (TABLE_SIZE,)) < 0.05
    table = jnp.where(oov_mask, jnp.int32(UNKNOWN_WORD), raw_table)
    return {"tokens": tokens, "table": table}


def reference(tokens, table):
    # Faithful structure of WordLookup.call:
    # 1) normalization (case_fold_utf8 + regex_replace) collapses several raw
    #    tokens onto one normalized key -- modeled as a many-to-one integer map.
    normed = tokens // 2  # maps HASH_SPACE raw ids onto TABLE_SIZE normalized keys
    # 2) StaticHashTable.lookup -> gather from the table (SparseCore gather)
    ids = jnp.take(table, normed, axis=0)
    return ids

if __name__ == "__main__":
    import jax
    _d = setup_inputs()
    print(jax.jit(kernel)(*tuple(_d.values())))

</pallas_src>

<mosaic_0001>
#map = affine_map<(d0, d1) -> (0, 0)>
#map1 = affine_map<(d0, d1) -> (0)>
module attributes {stable_mosaic.version = 14 : i64} {
  func.func @k(%arg0: i32, %arg1: i32, %arg2: memref<200x4096xi32, #tpu.memory_space<hbm>>, %arg3: memref<50000xi32, #tpu.memory_space<hbm>>, %arg4: memref<200x4096xi32, #tpu.memory_space<hbm>>, %arg5: memref<50000xi32, #tpu.memory_space<vmem>>, %arg6: memref<200x128xi32, #tpu.memory_space<vmem>>, %arg7: memref<200x128xi32, #tpu.memory_space<vmem>>, %arg8: memref<!tpu.dma_semaphore, #tpu.memory_space<semaphore_mem>>, %arg9: memref<!tpu.dma_semaphore, #tpu.memory_space<semaphore_mem>>, %arg10: memref<!tpu.dma_semaphore, #tpu.memory_space<semaphore_mem>>) attributes {dimension_semantics = [#tpu.dimension_semantics<core_parallel>, #tpu.dimension_semantics<subcore_parallel>], iteration_bounds = array<i64: 2, 16>, scalar_prefetch = 0 : i64, scratch_operands = 6 : i64, tpu.core_type = #tpu.core_type<sc_vector_subcore>, window_params = [{transform_indices = #map}, {transform_indices = #map1}, {transform_indices = #map}]} {
    %mul3A = arith.constant 2 : i32
    %mul3A_0 = arith.muli %arg1, %mul3A : i32
    %add3A = arith.addi %mul3A_0, %arg0 : i32
    %mul3A_1 = arith.constant 128 : i32
    %mul3A_2 = arith.muli %add3A, %mul3A_1 : i32
    tpu.enqueue_dma source(%arg3 : memref<50000xi32, #tpu.memory_space<hbm>>) target(%arg5 : memref<50000xi32, #tpu.memory_space<vmem>>) target_semaphore(%arg8 : memref<!tpu.dma_semaphore, #tpu.memory_space<semaphore_mem>>)
    %dma_start3A = arith.constant 0 : i32
    %dma_start3A_3 = tpu.memref_slice %arg2[%dma_start3A, %mul3A_2] : memref<200x4096xi32, #tpu.memory_space<hbm>> -> memref<200x128xi32, #tpu.memory_space<hbm>>
    %dma_start3A_4 = arith.constant 0 : i32
    %dma_start3A_5 = tpu.memref_slice %arg2[%dma_start3A_4, %mul3A_2] : memref<200x4096xi32, #tpu.memory_space<hbm>> -> memref<200x128xi32, #tpu.memory_space<hbm>>
    tpu.enqueue_dma source(%dma_start3A_5 : memref<200x128xi32, #tpu.memory_space<hbm>>) target(%arg6 : memref<200x128xi32, #tpu.memory_space<vmem>>) target_semaphore(%arg9 : memref<!tpu.dma_semaphore, #tpu.memory_space<semaphore_mem>>)
    tpu.wait_dma2 semaphore(%arg8 : memref<!tpu.dma_semaphore, #tpu.memory_space<semaphore_mem>>) src(%arg3 : memref<50000xi32, #tpu.memory_space<hbm>>) dst(%arg5 : memref<50000xi32, #tpu.memory_space<vmem>>)
    %dma_wait3A = arith.constant 0 : i32
    %dma_wait3A_6 = tpu.memref_slice %arg2[%dma_wait3A, %mul3A_2] : memref<200x4096xi32, #tpu.memory_space<hbm>> -> memref<200x128xi32, #tpu.memory_space<hbm>>
    %dma_wait3A_7 = arith.constant 0 : i32
    %dma_wait3A_8 = tpu.memref_slice %arg2[%dma_wait3A_7, %mul3A_2] : memref<200x4096xi32, #tpu.memory_space<hbm>> -> memref<200x128xi32, #tpu.memory_space<hbm>>
    tpu.wait_dma2 semaphore(%arg9 : memref<!tpu.dma_semaphore, #tpu.memory_space<semaphore_mem>>) src(%dma_wait3A_8 : memref<200x128xi32, #tpu.memory_space<hbm>>) dst(%arg6 : memref<200x128xi32, #tpu.memory_space<vmem>>)
    %scan3A = arith.constant 0 : i32
    %scan3A_9 = arith.constant 0 : i32
    %scan3A_10 = arith.constant 5 : i32
    %scan3A_11 = arith.addi %scan3A_9, %scan3A_10 : i32
    %scan3A_12 = arith.constant 1 : i32
    scf.for %scan3A_64 = %scan3A_9 to %scan3A_11 step %scan3A_12  : i32 {
      %mul3A_65 = arith.constant 40 : i32
      %mul3A_66 = arith.muli %scan3A_64, %mul3A_65 : i32
      %add3A_67 = arith.constant 40 : i32
      %add3A_68 = arith.addi %mul3A_66, %add3A_67 : i32
      %parallel_loop3A = arith.constant 1 : i32
      scf.for %parallel_loop3A_75 = %mul3A_66 to %add3A_68 step %parallel_loop3A  : i32 {
        %parallel_loop3A_76 = arith.index_cast %parallel_loop3A_75 : i32 to index
        %parallel_loop3A_77 = arith.constant 0 : index
        %parallel_loop3A_78 = tpu.vector_load %arg6[%parallel_loop3A_76, %parallel_loop3A_77] {strides = array<i32>} : memref<200x128xi32, #tpu.memory_space<vmem>>, vector<16xi32>,
        %parallel_loop3A_79 = arith.constant 1 : i32
        %parallel_loop3A_80 = vector.broadcast %parallel_loop3A_79 : i32 to vector<16xi32>
        %parallel_loop3A_81 = arith.shrui %parallel_loop3A_78, %parallel_loop3A_80 : vector<16xi32>
        %parallel_loop3A_82 = tpu.vector_load_idx %arg5[%parallel_loop3A_81] : memref<50000xi32, #tpu.memory_space<vmem>>[vector<16xi32>], vector<16xi32>,
        %parallel_loop3A_83 = arith.index_cast %parallel_loop3A_75 : i32 to index
        %parallel_loop3A_84 = arith.constant 0 : index
        %parallel_loop3A_85 = tpu.vector_load %arg7[%parallel_loop3A_83, %parallel_loop3A_84] {strides = array<i32>} : memref<200x128xi32, #tpu.memory_space<vmem>>, vector<16xi32>,
        tpu.vector_store %arg7[%parallel_loop3A_83, %parallel_loop3A_84], %parallel_loop3A_82 {strides = array<i32>} : memref<200x128xi32, #tpu.memory_space<vmem>>, vector<16xi32>,
        %parallel_loop3A_86 = arith.index_cast %parallel_loop3A_75 : i32 to index
        %parallel_loop3A_87 = arith.constant 16 : index
        %parallel_loop3A_88 = tpu.vector_load %arg6[%parallel_loop3A_86, %parallel_loop3A_87] {strides = array<i32>} : memref<200x128xi32, #tpu.memory_space<vmem>>, vector<16xi32>,
        %parallel_loop3A_89 = arith.constant 1 : i32
        %parallel_loop3A_90 = vector.broadcast %parallel_loop3A_89 : i32 to vector<16xi32>
        %parallel_loop3A_91 = arith.shrui %parallel_loop3A_88, %parallel_loop3A_90 : vector<16xi32>
        %parallel_loop3A_92 = tpu.vector_load_idx %arg5[%parallel_loop3A_91] : memref<50000xi32, #tpu.memory_space<vmem>>[vector<16xi32>], vector<16xi32>,
        %parallel_loop3A_93 = arith.index_cast %parallel_loop3A_75 : i32 to index
        %parallel_loop3A_94 = arith.constant 16 : index
        %parallel_loop3A_95 = tpu.vector_load %arg7[%parallel_loop3A_93, %parallel_loop3A_94] {strides = array<i32>} : memref<200x128xi32, #tpu.memory_space<vmem>>, vector<16xi32>,
        tpu.vector_store %arg7[%parallel_loop3A_93, %parallel_loop3A_94], %parallel_loop3A_92 {strides = array<i32>} : memref<200x128xi32, #tpu.memory_space<vmem>>, vector<16xi32>,
        %parallel_loop3A_96 = arith.index_cast %parallel_loop3A_75 : i32 to index
        %parallel_loop3A_97 = arith.constant 32 : index
        %parallel_loop3A_98 = tpu.vector_load %arg6[%parallel_loop3A_96, %parallel_loop3A_97] {strides = array<i32>} : memref<200x128xi32, #tpu.memory_space<vmem>>, vector<16xi32>,
        %parallel_loop3A_99 = arith.constant 1 : i32
        %parallel_loop3A_100 = vector.broadcast %parallel_loop3A_99 : i32 to vector<16xi32>
        %parallel_loop3A_101 = arith.shrui %parallel_loop3A_98, %parallel_loop3A_100 : vector<16xi32>
        %parallel_loop3A_102 = tpu.vector_load_idx %arg5[%parallel_loop3A_101] : memref<50000xi32, #tpu.memory_space<vmem>>[vector<16xi32>], vector<16xi32>,
        %parallel_loop3A_103 = arith.index_cast %parallel_loop3A_75 : i32 to index
        %parallel_loop3A_104 = arith.constant 32 : index
        %parallel_loop3A_105 = tpu.vector_load %arg7[%parallel_loop3A_103, %parallel_loop3A_104] {strides = array<i32>} : memref<200x128xi32, #tpu.memory_space<vmem>>, vector<16xi32>,
        tpu.vector_store %arg7[%parallel_loop3A_103, %parallel_loop3A_104], %parallel_loop3A_102 {strides = array<i32>} : memref<200x128xi32, #tpu.memory_space<vmem>>, vector<16xi32>,
        %parallel_loop3A_106 = arith.index_cast %parallel_loop3A_75 : i32 to index
        %parallel_loop3A_107 = arith.constant 48 : index
        %parallel_loop3A_108 = tpu.vector_load %arg6[%parallel_loop3A_106, %parallel_loop3A_107] {strides = array<i32>} : memref<200x128xi32, #tpu.memory_space<vmem>>, vector<16xi32>,
        %parallel_loop3A_109 = arith.constant 1 : i32
        %parallel_loop3A_110 = vector.broadcast %parallel_loop3A_109 : i32 to vector<16xi32>
        %parallel_loop3A_111 = arith.shrui %parallel_loop3A_108, %parallel_loop3A_110 : vector<16xi32>
        %parallel_loop3A_112 = tpu.vector_load_idx %arg5[%parallel_loop3A_111] : memref<50000xi32, #tpu.memory_space<vmem>>[vector<16xi32>], vector<16xi32>,
        %parallel_loop3A_113 = arith.index_cast %parallel_loop3A_75 : i32 to index
        %parallel_loop3A_114 = arith.constant 48 : index
        %parallel_loop3A_115 = tpu.vector_load %arg7[%parallel_loop3A_113, %parallel_loop3A_114] {strides = array<i32>} : memref<200x128xi32, #tpu.memory_space<vmem>>, vector<16xi32>,
        tpu.vector_store %arg7[%parallel_loop3A_113, %parallel_loop3A_114], %parallel_loop3A_112 {strides = array<i32>} : memref<200x128xi32, #tpu.memory_space<vmem>>, vector<16xi32>,
        %parallel_loop3A_116 = arith.index_cast %parallel_loop3A_75 : i32 to index
        %parallel_loop3A_117 = arith.constant 64 : index
        %parallel_loop3A_118 = tpu.vector_load %arg6[%parallel_loop3A_116, %parallel_loop3A_117] {strides = array<i32>} : memref<200x128xi32, #tpu.memory_space<vmem>>, vector<16xi32>,
        %parallel_loop3A_119 = arith.constant 1 : i32
        %parallel_loop3A_120 = vector.broadcast %parallel_loop3A_119 : i32 to vector<16xi32>
        %parallel_loop3A_121 = arith.shrui %parallel_loop3A_118, %parallel_loop3A_120 : vector<16xi32>
        %parallel_loop3A_122 = tpu.vector_load_idx %arg5[%parallel_loop3A_121] : memref<50000xi32, #tpu.memory_space<vmem>>[vector<16xi32>], vector<16xi32>,
        %parallel_loop3A_123 = arith.index_cast %parallel_loop3A_75 : i32 to index
        %parallel_loop3A_124 = arith.constant 64 : index
        %parallel_loop3A_125 = tpu.vector_load %arg7[%parallel_loop3A_123, %parallel_loop3A_124] {strides = array<i32>} : memref<200x128xi32, #tpu.memory_space<vmem>>, vector<16xi32>,
        tpu.vector_store %arg7[%parallel_loop3A_123, %parallel_loop3A_124], %parallel_loop3A_122 {strides = array<i32>} : memref<200x128xi32, #tpu.memory_space<vmem>>, vector<16xi32>,
        %parallel_loop3A_126 = arith.index_cast %parallel_loop3A_75 : i32 to index
        %parallel_loop3A_127 = arith.constant 80 : index
        %parallel_loop3A_128 = tpu.vector_load %arg6[%parallel_loop3A_126, %parallel_loop3A_127] {strides = array<i32>} : memref<200x128xi32, #tpu.memory_space<vmem>>, vector<16xi32>,
        %parallel_loop3A_129 = arith.constant 1 : i32
        %parallel_loop3A_130 = vector.broadcast %parallel_loop3A_129 : i32 to vector<16xi32>
        %parallel_loop3A_131 = arith.shrui %parallel_loop3A_128, %parallel_loop3A_130 : vector<16xi32>
        %parallel_loop3A_132 = tpu.vector_load_idx %arg5[%parallel_loop3A_131] : memref<50000xi32, #tpu.memory_space<vmem>>[vector<16xi32>], vector<16xi32>,
        %parallel_loop3A_133 = arith.index_cast %parallel_loop3A_75 : i32 to index
        %parallel_loop3A_134 = arith.constant 80 : index
        %parallel_loop3A_135 = tpu.vector_load %arg7[%parallel_loop3A_133, %parallel_loop3A_134] {strides = array<i32>} : memref<200x128xi32, #tpu.memory_space<vmem>>, vector<16xi32>,
        tpu.vector_store %arg7[%parallel_loop3A_133, %parallel_loop3A_134], %parallel_loop3A_132 {strides = array<i32>} : memref<200x128xi32, #tpu.memory_space<vmem>>, vector<16xi32>,
        %parallel_loop3A_136 = arith.index_cast %parallel_loop3A_75 : i32 to index
        %parallel_loop3A_137 = arith.constant 96 : index
        %parallel_loop3A_138 = tpu.vector_load %arg6[%parallel_loop3A_136, %parallel_loop3A_137] {strides = array<i32>} : memref<200x128xi32, #tpu.memory_space<vmem>>, vector<16xi32>,
        %parallel_loop3A_139 = arith.constant 1 : i32
        %parallel_loop3A_140 = vector.broadcast %parallel_loop3A_139 : i32 to vector<16xi32>
        %parallel_loop3A_141 = arith.shrui %parallel_loop3A_138, %parallel_loop3A_140 : vector<16xi32>
        %parallel_loop3A_142 = tpu.vector_load_idx %arg5[%parallel_loop3A_141] : memref<50000xi32, #tpu.memory_space<vmem>>[vector<16xi32>], vector<16xi32>,
        %parallel_loop3A_143 = arith.index_cast %parallel_loop3A_75 : i32 to index
        %parallel_loop3A_144 = arith.constant 96 : index
        %parallel_loop3A_145 = tpu.vector_load %arg7[%parallel_loop3A_143, %parallel_loop3A_144] {strides = array<i32>} : memref<200x128xi32, #tpu.memory_space<vmem>>, vector<16xi32>,
        tpu.vector_store %arg7[%parallel_loop3A_143, %parallel_loop3A_144], %parallel_loop3A_142 {strides = array<i32>} : memref<200x128xi32, #tpu.memory_space<vmem>>, vector<16xi32>,
        %parallel_loop3A_146 = arith.index_cast %parallel_loop3A_75 : i32 to index
        %parallel_loop3A_147 = arith.constant 112 : index
        %parallel_loop3A_148 = tpu.vector_load %arg6[%parallel_loop3A_146, %parallel_loop3A_147] {strides = array<i32>} : memref<200x128xi32, #tpu.memory_space<vmem>>, vector<16xi32>,
        %parallel_loop3A_149 = arith.constant 1 : i32
        %parallel_loop3A_150 = vector.broadcast %parallel_loop3A_149 : i32 to vector<16xi32>
        %parallel_loop3A_151 = arith.shrui %parallel_loop3A_148, %parallel_loop3A_150 : vector<16xi32>
        %parallel_loop3A_152 = tpu.vector_load_idx %arg5[%parallel_loop3A_151] : memref<50000xi32, #tpu.memory_space<vmem>>[vector<16xi32>], vector<16xi32>,
        %parallel_loop3A_153 = arith.index_cast %parallel_loop3A_75 : i32 to index
        %parallel_loop3A_154 = arith.constant 112 : index
        %parallel_loop3A_155 = tpu.vector_load %arg7[%parallel_loop3A_153, %parallel_loop3A_154] {strides = array<i32>} : memref<200x128xi32, #tpu.memory_space<vmem>>, vector<16xi32>,
        tpu.vector_store %arg7[%parallel_loop3A_153, %parallel_loop3A_154], %parallel_loop3A_152 {strides = array<i32>} : memref<200x128xi32, #tpu.memory_space<vmem>>, vector<16xi32>,
      } {sc.loop_unroll_factor = 4 : i64, sc.parallel_access}
      %dma_start3A_69 = arith.constant 0 : i32
      %dma_start3A_70 = tpu.memref_slice %arg7[%mul3A_66, %dma_start3A_69] : memref<200x128xi32, #tpu.memory_space<vmem>> -> memref<40x128xi32, #tpu.memory_space<vmem>>
      %dma_start3A_71 = tpu.memref_slice %arg4[%mul3A_66, %mul3A_2] : memref<200x4096xi32, #tpu.memory_space<hbm>> -> memref<40x128xi32, #tpu.memory_space<hbm>>
      %dma_start3A_72 = tpu.memref_slice %arg4[%mul3A_66, %mul3A_2] : memref<200x4096xi32, #tpu.memory_space<hbm>> -> memref<40x128xi32, #tpu.memory_space<hbm>>
      %dma_start3A_73 = arith.constant 0 : i32
      %dma_start3A_74 = tpu.memref_slice %arg7[%mul3A_66, %dma_start3A_73] : memref<200x128xi32, #tpu.memory_space<vmem>> -> memref<40x128xi32, #tpu.memory_space<vmem>>
      tpu.enqueue_dma source(%dma_start3A_74 : memref<40x128xi32, #tpu.memory_space<vmem>>) target(%dma_start3A_72 : memref<40x128xi32, #tpu.memory_space<hbm>>) target_semaphore(%arg10 : memref<!tpu.dma_semaphore, #tpu.memory_space<semaphore_mem>>)
    }
    %scan3A_13 = arith.constant 5 : i32
    %dma_wait3A_14 = arith.constant 0 : i32
    %dma_wait3A_15 = arith.constant 0 : i32
    %dma_wait3A_16 = tpu.memref_slice %arg7[%dma_wait3A_14, %dma_wait3A_15] : memref<200x128xi32, #tpu.memory_space<vmem>> -> memref<40x128xi32, #tpu.memory_space<vmem>>
    %dma_wait3A_17 = arith.constant 0 : i32
    %dma_wait3A_18 = tpu.memref_slice %arg4[%dma_wait3A_17, %mul3A_2] : memref<200x4096xi32, #tpu.memory_space<hbm>> -> memref<40x128xi32, #tpu.memory_space<hbm>>
    %dma_wait3A_19 = arith.constant 0 : i32
    %dma_wait3A_20 = tpu.memref_slice %arg4[%dma_wait3A_19, %mul3A_2] : memref<200x4096xi32, #tpu.memory_space<hbm>> -> memref<40x128xi32, #tpu.memory_space<hbm>>
    %dma_wait3A_21 = arith.constant 0 : i32
    %dma_wait3A_22 = arith.constant 0 : i32
    %dma_wait3A_23 = tpu.memref_slice %arg7[%dma_wait3A_21, %dma_wait3A_22] : memref<200x128xi32, #tpu.memory_space<vmem>> -> memref<40x128xi32, #tpu.memory_space<vmem>>
    tpu.wait_dma2 semaphore(%arg10 : memref<!tpu.dma_semaphore, #tpu.memory_space<semaphore_mem>>) src(%dma_wait3A_23 : memref<40x128xi32, #tpu.memory_space<vmem>>) dst(%dma_wait3A_20 : memref<40x128xi32, #tpu.memory_space<hbm>>)
    %dma_wait3A_24 = arith.constant 40 : i32
    %dma_wait3A_25 = arith.constant 0 : i32
    %dma_wait3A_26 = tpu.memref_slice %arg7[%dma_wait3A_24, %dma_wait3A_25] : memref<200x128xi32, #tpu.memory_space<vmem>> -> memref<40x128xi32, #tpu.memory_space<vmem>>
    %dma_wait3A_27 = arith.constant 40 : i32
    %dma_wait3A_28 = tpu.memref_slice %arg4[%dma_wait3A_27, %mul3A_2] : memref<200x4096xi32, #tpu.memory_space<hbm>> -> memref<40x128xi32, #tpu.memory_space<hbm>>
    %dma_wait3A_29 = arith.constant 40 : i32
    %dma_wait3A_30 = tpu.memref_slice %arg4[%dma_wait3A_29, %mul3A_2] : memref<200x4096xi32, #tpu.memory_space<hbm>> -> memref<40x128xi32, #tpu.memory_space<hbm>>
    %dma_wait3A_31 = arith.constant 40 : i32
    %dma_wait3A_32 = arith.constant 0 : i32
    %dma_wait3A_33 = tpu.memref_slice %arg7[%dma_wait3A_31, %dma_wait3A_32] : memref<200x128xi32, #tpu.memory_space<vmem>> -> memref<40x128xi32, #tpu.memory_space<vmem>>
    tpu.wait_dma2 semaphore(%arg10 : memref<!tpu.dma_semaphore, #tpu.memory_space<semaphore_mem>>) src(%dma_wait3A_33 : memref<40x128xi32, #tpu.memory_space<vmem>>) dst(%dma_wait3A_30 : memref<40x128xi32, #tpu.memory_space<hbm>>)
    %dma_wait3A_34 = arith.constant 80 : i32
    %dma_wait3A_35 = arith.constant 0 : i32
    %dma_wait3A_36 = tpu.memref_slice %arg7[%dma_wait3A_34, %dma_wait3A_35] : memref<200x128xi32, #tpu.memory_space<vmem>> -> memref<40x128xi32, #tpu.memory_space<vmem>>
    %dma_wait3A_37 = arith.constant 80 : i32
    %dma_wait3A_38 = tpu.memref_slice %arg4[%dma_wait3A_37, %mul3A_2] : memref<200x4096xi32, #tpu.memory_space<hbm>> -> memref<40x128xi32, #tpu.memory_space<hbm>>
    %dma_wait3A_39 = arith.constant 80 : i32
    %dma_wait3A_40 = tpu.memref_slice %arg4[%dma_wait3A_39, %mul3A_2] : memref<200x4096xi32, #tpu.memory_space<hbm>> -> memref<40x128xi32, #tpu.memory_space<hbm>>
    %dma_wait3A_41 = arith.constant 80 : i32
    %dma_wait3A_42 = arith.constant 0 : i32
    %dma_wait3A_43 = tpu.memref_slice %arg7[%dma_wait3A_41, %dma_wait3A_42] : memref<200x128xi32, #tpu.memory_space<vmem>> -> memref<40x128xi32, #tpu.memory_space<vmem>>
    tpu.wait_dma2 semaphore(%arg10 : memref<!tpu.dma_semaphore, #tpu.memory_space<semaphore_mem>>) src(%dma_wait3A_43 : memref<40x128xi32, #tpu.memory_space<vmem>>) dst(%dma_wait3A_40 : memref<40x128xi32, #tpu.memory_space<hbm>>)
    %dma_wait3A_44 = arith.constant 120 : i32
    %dma_wait3A_45 = arith.constant 0 : i32
    %dma_wait3A_46 = tpu.memref_slice %arg7[%dma_wait3A_44, %dma_wait3A_45] : memref<200x128xi32, #tpu.memory_space<vmem>> -> memref<40x128xi32, #tpu.memory_space<vmem>>
    %dma_wait3A_47 = arith.constant 120 : i32
    %dma_wait3A_48 = tpu.memref_slice %arg4[%dma_wait3A_47, %mul3A_2] : memref<200x4096xi32, #tpu.memory_space<hbm>> -> memref<40x128xi32, #tpu.memory_space<hbm>>
    %dma_wait3A_49 = arith.constant 120 : i32
    %dma_wait3A_50 = tpu.memref_slice %arg4[%dma_wait3A_49, %mul3A_2] : memref<200x4096xi32, #tpu.memory_space<hbm>> -> memref<40x128xi32, #tpu.memory_space<hbm>>
    %dma_wait3A_51 = arith.constant 120 : i32
    %dma_wait3A_52 = arith.constant 0 : i32
    %dma_wait3A_53 = tpu.memref_slice %arg7[%dma_wait3A_51, %dma_wait3A_52] : memref<200x128xi32, #tpu.memory_space<vmem>> -> memref<40x128xi32, #tpu.memory_space<vmem>>
    tpu.wait_dma2 semaphore(%arg10 : memref<!tpu.dma_semaphore, #tpu.memory_space<semaphore_mem>>) src(%dma_wait3A_53 : memref<40x128xi32, #tpu.memory_space<vmem>>) dst(%dma_wait3A_50 : memref<40x128xi32, #tpu.memory_space<hbm>>)
    %dma_wait3A_54 = arith.constant 160 : i32
    %dma_wait3A_55 = arith.constant 0 : i32
    %dma_wait3A_56 = tpu.memref_slice %arg7[%dma_wait3A_54, %dma_wait3A_55] : memref<200x128xi32, #tpu.memory_space<vmem>> -> memref<40x128xi32, #tpu.memory_space<vmem>>
    %dma_wait3A_57 = arith.constant 160 : i32
    %dma_wait3A_58 = tpu.memref_slice %arg4[%dma_wait3A_57, %mul3A_2] : memref<200x4096xi32, #tpu.memory_space<hbm>> -> memref<40x128xi32, #tpu.memory_space<hbm>>
    %dma_wait3A_59 = arith.constant 160 : i32
    %dma_wait3A_60 = tpu.memref_slice %arg4[%dma_wait3A_59, %mul3A_2] : memref<200x4096xi32, #tpu.memory_space<hbm>> -> memref<40x128xi32, #tpu.memory_space<hbm>>
    %dma_wait3A_61 = arith.constant 160 : i32
    %dma_wait3A_62 = arith.constant 0 : i32
    %dma_wait3A_63 = tpu.memref_slice %arg7[%dma_wait3A_61, %dma_wait3A_62] : memref<200x128xi32, #tpu.memory_space<vmem>> -> memref<40x128xi32, #tpu.memory_space<vmem>>
    tpu.wait_dma2 semaphore(%arg10 : memref<!tpu.dma_semaphore, #tpu.memory_space<semaphore_mem>>) src(%dma_wait3A_63 : memref<40x128xi32, #tpu.memory_space<vmem>>) dst(%dma_wait3A_60 : memref<40x128xi32, #tpu.memory_space<hbm>>)
    return
  }
}

</mosaic_0001>

<sc_bundles>
// kernel: kernel.3.cloned.1.call-start
scs
__scs_entry_jumppad:
0x0: {  	(pc) =	sbr.rel $0x88, $3  }
0x1: {  	(tag) =	ssettag $0x0;
	lr =	simm.s32 $0x1  }
0x2: {  	[smem:$0x3F9F] =	sst lr;
	_ =	strace $0xD0000000  }
0x3: {  	_ = 	snop  }
0x4: {  	_ = 	snop  }
0x5: {  	_ = 	snop  }
0x6: {  	_ = 	snop  }
0x7: {  	_ = 	snop  }
__scs_overlays_trampoline_lowered:
0x8: {  	[smem:$0x3FAE] =	sst s0  }
0x9: {  	[smem:$0x3FAF] =	sst s1  }
0xa: {  	[smem:$0x3FB0] =	sst s2  }
0xb: {  	[smem:$0x3FB1] =	sst s3  }
0xc: {  	[smem:$0x3FB2] =	sst s4  }
0xd: {  	[smem:$0x3FB3] =	sst s5  }
0xe: {  	[smem:$0x3FB4] =	sst s6  }
0xf: {  	[smem:$0x3FB5] =	sst s7  }
0x10: {  	[smem:$0x3FB6] =	sst s8  }
0x11: {  	[smem:$0x3FB7] =	sst s9;
	s0 =	simm.s32 @!p0 $0x0  }
0x12: {  	s1 =	sld [smem:$0x3F9D];
	s0 =	simm.s32 @p0 $0x1  }
0x13: {  	[smem:$0x3FB8] =	sst s0;
	s0 =	simm.s32 @!p1 $0x0  }
0x14: {  	s2 =	sld [smem:$0x3F9C];
	s0 =	simm.s32 @p1 $0x1  }
0x15: {  	[smem:$0x3FB9] =	sst s0;
	s0 =	simm.s32 @!p2 $0x0  }
0x16: {  	s3 =	sld [smem:$0x3FDB];
	s0 =	simm.s32 @p2 $0x1  }
0x17: {  	s4 =	simm.s32 $0x1BF5;
	[smem:$0x3FBB] =	sst s0  }
0x18: {  	s0 =	sld [smem:$0x3F9E];
	_ =	swait.ge [sflag:s4], $0x0  }
0x19: {  	s7 =	sld [smem:$0x3F9F]  }
0x1a: {  	s8 =	sadd.s32 $0xFFFFE003, lr  }
0x1b: {  	s9 =	sadd.s32 $0xFFFFFEF7, lr;
	s5 =	simm.s32 $0xFFFFFFFF;
	p2 =	slt.u32 s8, $0xFFFFF086  }
0x1c: {  	p1 =	slt.u32 s9, $0xF7A;
	s5 =	simm.s32 @!p2 $0x0  }
0x1d: {  	s5 =	simm.s32 @p1 $0x1;
	p0 =	seq.s32 s7, s2  }
0x1e: {  	s7 =	smul.u32 @!p0 $0xF7A, s2;
	p2 =	seq.s32 @!p0 s5, $0x0  }
0x1f: {  	s9 =	smul.u32 $0xF7A, s1;
	s8 =	simm.s32 @!p0 $0x1BF5;
	p2 =	por !p2, p0  }
0x20: {  	[sflag:s8] =	ssyncset.s32 @!p0 $0xFFFFF086;
	s6 =	sadd.s32 @!p0 s3, s7;
	s7 =	simm.s32 @!p0 $0x108  }
0x21: {  	s3 =	sadd.s32 s3, s9;
	s6 =	sadd.s32 @!p0 $0x88, s6;
	s7 =	simm.s32 @p2 $0x1082  }
0x22: {  	[simem:s7], [sflag:s8] =	dma.local @!p0 [hbm:s6], $0xF7A  }
0x23: {  	s9 =	sor.u32 $0xD0000000, s2;
	s6 =	simm.s32 $0x108;
	_ =	swait.ge @!p0 [sflag:s8], $0x0  }
0x24: {  	s3 =	sadd.s32 $0x88, s3;
	s6 =	simm.s32 @!p1 $0x1082;
	[sflag:s4] =	ssyncset.s32 $0xFFFFF086  }
0x25: {  	[simem:s6], [sflag:s4] =	dma.local [hbm:s3], $0xF7A  }
0x26: {  	[smem:$0x3F9F] =	sst s1;
	(tag) =	ssettag s2;
	_ =	strace s9  }
0x27: {  	s1 =	sld [smem:$0x3FAF]  }
0x28: {  	s2 =	sld [smem:$0x3FB0]  }
0x29: {  	s4 =	sld [smem:$0x3FB2]  }
0x2a: {  	p0 =	seq.s32 s5, $0x0;
	s5 =	sld [smem:$0x3FB3]  }
0x2b: {  	s6 =	sld [smem:$0x3FB4]  }
0x2c: {  	s7 =	sld [smem:$0x3FB5]  }
0x2d: {  	s3 =	simm.s32 $0x108;
	s8 =	sld [smem:$0x3FB6]  }
0x2e: {  	s3 =	simm.s32 @!p0 $0x1082;
	s9 =	sld [smem:$0x3FB7]  }
0x2f: {  	lr =	sadd.s32 s0, s3;
	s0 =	sld [smem:$0x3FAE]  }
0x30: {  	s3 =	sld [smem:$0x3FB1]  }
0x31: {  	[smem:$0x3FBA] =	sst s10  }
0x32: {  	s10 =	sld [smem:$0x3FB8];
	_ =	sdelay $0x3  }
0x33: {  	p0 =	seq.s32 s10, $0x1;
	s10 =	sld [smem:$0x3FBA];
	_ =	sdelay $0x3  }
0x34: {  	[smem:$0x3FBA] =	sst s10  }
0x35: {  	s10 =	sld [smem:$0x3FB9];
	_ =	sdelay $0x3  }
0x36: {  	p1 =	seq.s32 s10, $0x1;
	s10 =	sld [smem:$0x3FBA];
	_ =	sdelay $0x3  }
0x37: {  	[smem:$0x3FBA] =	sst s10  }
0x38: {  	s10 =	sld [smem:$0x3FBB]  }
0x39: {  	_ = 	snop;
	(pc) =	sbr.ind lr, $3  }
0x3a: {  	_ = 	snop  }
0x3b: {  	_ = 	snop  }
0x3c: {  	p2 =	seq.s32 s10, $0x1;
	s10 =	sld [smem:$0x3FBA]  }
0x3d: {  	_ =	shalt  }
0x3e: {  	_ =	shalt  }
0x3f: {  	_ =	shalt  }
0x40: {  	_ =	shalt  }
0x41: {  	_ =	shalt  }
0x42: {  	_ =	shalt  }
0x43: {  	_ =	shalt  }
0x44: {  	_ =	shalt  }
0x45: {  	_ =	shalt  }
0x46: {  	_ =	shalt  }
0x47: {  	_ =	shalt  }
0x48: {  	_ =	shalt  }
0x49: {  	_ =	shalt  }
0x4a: {  	_ =	shalt  }
0x4b: {  	_ =	shalt  }
0x4c: {  	_ =	shalt  }
0x4d: {  	_ =	shalt  }
0x4e: {  	_ =	shalt  }
0x4f: {  	_ =	shalt  }
0x50: {  	_ =	shalt  }
0x51: {  	_ =	shalt  }
0x52: {  	_ =	shalt  }
0x53: {  	_ =	shalt  }
0x54: {  	_ =	shalt  }
0x55: {  	_ =	shalt  }
0x56: {  	_ =	shalt  }
0x57: {  	_ =	shalt  }
0x58: {  	_ =	shalt  }
0x59: {  	_ =	shalt  }
0x5a: {  	_ =	shalt  }
0x5b: {  	_ =	shalt  }
0x5c: {  	_ =	shalt  }
0x5d: {  	_ =	shalt  }
0x5e: {  	_ =	shalt  }
0x5f: {  	_ =	shalt  }
0x60: {  	_ =	shalt  }
0x61: {  	_ =	shalt  }
0x62: {  	_ =	shalt  }
0x63: {  	_ =	shalt  }
0x64: {  	_ =	shalt  }
0x65: {  	_ =	shalt  }
0x66: {  	_ =	shalt  }
0x67: {  	_ =	shalt  }
0x68: {  	_ =	shalt  }
0x69: {  	_ =	shalt  }
0x6a: {  	_ =	shalt  }
0x6b: {  	_ =	shalt  }
0x6c: {  	_ =	shalt  }
0x6d: {  	_ =	shalt  }
0x6e: {  	_ =	shalt  }
0x6f: {  	_ =	shalt  }
0x70: {  	_ =	shalt  }
0x71: {  	_ =	shalt  }
0x72: {  	_ =	shalt  }
0x73: {  	_ =	shalt  }
0x74: {  	_ =	shalt  }
0x75: {  	_ =	shalt  }
0x76: {  	_ =	shalt  }
0x77: {  	_ =	shalt  }
0x78: {  	_ =	shalt  }
0x79: {  	_ =	shalt  }
0x7a: {  	_ =	shalt  }
0x7b: {  	_ =	shalt  }
0x7c: {  	_ =	shalt  }
0x7d: {  	_ =	shalt  }
0x7e: {  	_ =	shalt  }
0x7f: {  	_ =	shalt  }
0x80: {  	_ =	shalt  }
0x81: {  	_ =	shalt  }
0x82: {  	_ =	shalt  }
0x83: {  	_ =	shalt  }
0x84: {  	_ =	shalt  }
0x85: {  	_ =	shalt  }
0x86: {  	_ =	shalt  }
0x87: {  	_ =	shalt  }
.Lfunc_end0:
.L_simem_size_0:
called_computation_lowered:
.L_overlay_start_0:
0x88: {  	s2 =	sld [smem:$0x3FD9]  }
0x89: {  	s3 =	sld [smem:$0x3FFE];
	_ =	sdelay $0x1  }
0x8a: {  	s1 =	srdreg.scid  }
0x8b: {  	s0 =	sand.u32 $0x1, s1  }
0x8c: {  	s18 =	sshll.u32 s0, $0xA;
	s2 =	sadd.s32 s3, s2  }
0x8d: {  	s2 =	sadd.s32 s2, s18  }
0x8e: {  	[smem:$0x3FC6] =	sst s2  }
0x8f: {  	_ = 	snop  }
0x90: {  	s2 =	sld [smem:$0x3FC9]  }
0x91: {  	s19 =	sld [smem:$0x3FC8]  }
0x92: {  	s4 =	sld [smem:$0x3FD0];
	(tm) =	ssettm $0x1  }
0x93: {  	s5 =	sld [smem:$0x3FFB];
	_ =	sdelay $0x3  }
0x94: {  	_ =	strace s5  }
0x95: {  	s5 =	sld [smem:$0x3FFC];
	_ =	sdelay $0x3  }
0x96: {  	_ =	strace s5  }
0x97: {  	s5 =	sld [smem:$0x3FFD];
	_ =	sdelay $0x3  }
0x98: {  	_ =	strace s5  }
0x99: {  	_ =	strace $0x8FFFFFFF  }
0x9a: {  	s20 =	sld [smem:$0x3FDB];
	_ =	sdelay $0x1  }
0x9b: {  	s6 =	simm.s32 $_scs_section_size  }
0x9c: {  	s7 =	simm.s32 $_size__tile_overlayer_lowered;
	s8 =	simm.s32 $_tile_overlayer_lowered  }
0x9d: {  	s23 =	simm.s32 $0x1BFF;
	s22 =	sshll.u32 s8, $0x1;
	s5 =	sadd.s32 s6, s20  }
0x9e: {  	s9 =	simm.s32 $0x0;
	s21 =	sshll.u32 s7, $0x1;
	s7 =	sadd.s32 s22, s5  }
0x9f: {  	[timem:s9], [sflag:s23] =	dma.local [hbm:s7], s21  }
0xa0: {  	_ =	swait.ge [sflag:s23], s21  }
0xa1: {  	s6 =	ssub.s32 $0x0, s21;
	[sflag:s23] =	ssyncset.done $0x0  }
0xa2: {  	[sflag:s23] =	ssyncadd.s32 s6;
	_ =	sdelay $0x1  }
0xa3: {  	s24 =	simm.s32 $0x1B8B  }
0xa4: {  	_ =	swait.ge [sflag:s24], $0x1  }
0xa5: {  	[sflag:s24] =	ssyncset.done $0x0  }
0xa6: {  	s25 =	simm.s32 $0x1B8E;
	[sflag:s24] =	ssyncadd.s32 $0xFFFFFFFF  }
0xa7: {  	s26 =	simm.s32 $execute0_lowered;
	[smem:$0x3FD2] =	sst s25  }
0xa8: {  	s6 =	sshll.u32 s26, $0x1;
	_ =	strace $0x80000046;
	[dreg:$0x1] =	wrdreg $0xFFFFFFFF  }
0xa9: {  	s28 =	simm.s32 $_size_execute0_lowered;
	s5 =	sadd.s32 s5, s6;
	[dreg:$0x0] =	wrdreg $0x0  }
0xaa: {  	s6 =	sshll.u32 s28, $0x1;
	[dreg:$0x2] =	wrdreg s5  }
0xab: {  	[dreg:$0x3] =	wrdreg s6  }
0xac: {  	[dreg:$0x4] =	wrdreg $0xC0  }
0xad: {  	_ =	task [dreg:s9], $0x5FFFF  }
0xae: {  	[dreg:$0x1] =	wrdreg $0xFFFFFFFF  }
0xaf: {  	[dreg:$0x0] =	wrdreg $0x60  }
0xb0: {  	[dreg:$0x2] =	wrdreg s2  }
0xb1: {  	[dreg:$0x3] =	wrdreg s19  }
0xb2: {  	[dreg:$0x4] =	wrdreg s4  }
0xb3: {  	[dreg:$0x5] =	wrdreg $0x9  }
0xb4: {  	_ =	task.clear_ibuf [dreg:s9], $0x6FFFF;
	_ =	strace $0x90000046  }
0xb5: {  	s29 =	simm.s32 $0x9;
	_ =	strace $0x80000048  }
0xb6: {  	_ =	swait.ge [sflag:s29], $0x1  }
0xb7: {  	[sflag:s29] =	ssyncadd.s32 $0xFFFFFFFF  }
0xb8: {  	_ =	strace $0x90000048  }
0xb9: {  	_ =	sfence  }
0xba: {  	s30 =	sld [smem:$0x0];
	_ =	sdelay $0x2  }
0xbb: {  	s31 =	sshll.u32 s1, $0xD;
	s1 =	sshrl.u32 s1, $0x2  }
0xbc: {  	s3 =	sand.u32 $0x4000, s31;
	s1 =	sadd.s32 s1, s30  }
0xbd: {  	s0 =	sor.u32 s3, s0;
	s1 =	sshll.u32 s1, $0x11  }
0xbe: {  	s0 =	sor.u32 s1, s0  }
0xbf: {  	s0 =	sadd.s32 $0x8F2B, s0  }
0xc0: {  	[sflag:s0] =	ssyncadd.remote.s32 $0x1  }
0xc1: {  	_ =	sfence.sel $0xFFFF  }
0xc2: {  	[dreg:$0x0] =	wrdreg $0xFFFFFFFF;
	(pc) =	sbr.abs _section_cstart, $3  }
0xc3: {  	[dreg:$0x1] =	wrdreg $0xFFFFFFFF  }
0xc4: {  	_ =	task.clear_ibuf [dreg:s9], $0x2FFFF;
	_ =	strace $0x9FFFFFFF  }
0xc5: {  	(tm) =	ssettm $0x7FFFFFFF  }
tec
execute0_lowered:
.L_overlay_start_1:
0x0: {  	(tag) =	ssettag $0x1  }
0x1: {  	s6 =	rddreg [dreg:$0x0]  }
0x2: {  	s1 =	rddreg [dreg:$0x1]  }
0x3: {  	s3 =	rddreg [dreg:$0x2]  }
0x4: {  	s0 =	rddreg [dreg:$0x3];
	s5 =	srdreg.scid;
	s4 =	simm.s32 $0x0  }
0x5: {  	s2 =	stileid.u32;
	s10 =	simm.s32 $0xC380;
	s11 =	simm.s32 $0x1  }
0x6: {  	s12 =	simm.s32 $0x2;
	s13 =	simm.s32 $0x3;
	s14 =	simm.s32 $0x0  }
.Ltmp0:
0x7: {  	s5 =	sand.u32 $0x1, s5;
	s8 =	sshll.u32 s2, $0xB;
	(pc) =	sbr.rel .LBB2_1-.Ltmp0, $4  }
0x8: {  	[smem:$0x7FF] =	sst s4;
	s7 =	ssub.s32 $0x2, s5;
	s5 =	sshll.u32 s5, $0xA  }
0x9: {  	_ =	strace $0x80000047;
	s9 =	sshrl.u32 s7, $0x1;
	s5 =	sor.u32 s5, s8  }
0xa: {  	s7 =	ssub.s32 s7, s9;
	s8 =	sshrl.u32 s5, $0x3;
	s9 =	simm.s32 $0x8000  }
0xb: {  	s6 =	sadd.s32 s6, s8;
	s7 =	smax.u32 s7, $0x1;
	s8 =	simm.s32 $0x400  }
.LBB2_11:
0xc: {  	_ =	swait.ge [sflag:s13], $0x1400  }
0xd: {  	[sflag:s13] =	ssyncset.done $0x0  }
0xe: {  	[sflag:s13] =	ssyncadd.s32 $0xFFFFEC00  }
0xf: {  	_ =	swait.ge [sflag:s13], $0x1400  }
0x10: {  	[sflag:s13] =	ssyncset.done $0x0  }
0x11: {  	[sflag:s13] =	ssyncadd.s32 $0xFFFFEC00  }
0x12: {  	_ =	swait.ge [sflag:s13], $0x1400  }
0x13: {  	[sflag:s13] =	ssyncset.done $0x0  }
0x14: {  	s14 =	sadd.s32 $0x1, s14;
	[sflag:s13] =	ssyncadd.s32 $0xFFFFEC00  }
0x15: {  	p0 =	sne.s32 s14, s7;
	_ =	swait.ge [sflag:s13], $0x1400  }
.Ltmp1:
0x16: {  	[sflag:s13] =	ssyncset.done $0x0;
	(pc) =	sbr.rel @!p0 .LBB2_12-.Ltmp1, $4  }
0x17: {  	[sflag:s13] =	ssyncadd.s32 $0xFFFFEC00  }
0x18: {  	_ =	swait.ge [sflag:s13], $0x1400  }
0x19: {  	[sflag:s13] =	ssyncset.done $0x0  }
0x1a: {  	[sflag:s13] =	ssyncadd.s32 $0xFFFFEC00  }
.LBB2_1:
0x1b: {  	[tilespmem:s4], [sflag:$0x1] =	stream.linear.gather [hbm4b:s1+s4], $0xC380, $0x38;
	[tilespmem:$0x18B80] =	vst v63  }
0x1c: {  	_ = 	snop  }
0x1d: {  	[tilespmem:s10], [sflag:$0x2] =	stream.strided.gather [hbm4b:s6+s8], $0x6400, s9, s8, $0x38;
	[tilespmem:$0x18B80] =	vst v63  }
0x1e: {  	_ =	swait.ge [sflag:s11], $0xC380  }
0x1f: {  	[sflag:s11] =	ssyncset.done $0x0  }
0x20: {  	[sflag:s11] =	ssyncadd.s32 $0xFFFF3C80  }
0x21: {  	_ =	swait.ge [sflag:s12], $0x6400  }
0x22: {  	s15 =	simm.s32 $0xC480;
	[sflag:s12] =	ssyncset.done $0x0  }
0x23: {  	s16 =	simm.s32 $0x12880;
	s17 =	simm.s32 $0x0;
	[sflag:s12] =	ssyncadd.s32 $0xFFFF9C00  }
.LBB2_2:
0x24: {  	v0 =	vld [tilespmem:s15+$0x80]  }
0x25: {  	v1 =	vld [tilespmem:s15+$0xFFFFFF80];
	_ =	sdelay $0x2  }
0x26: {  	v2 =	vld [tilespmem:s15+$0x0]  }
0x27: {  	v3 =	vld [tilespmem:s15+$0xFFFFFF00];
	v0 =	vshrl.u32 v0, $0x1  }
0x28: {  	v1 =	vshrl.u32 v1, $0x1;
	_ =	sdelay $0x2  }
0x29: {  	v2 =	vshrl.u32 v2, $0x1  }
0x2a: {  	v3 =	vshrl.u32 v3, $0x1;
	v0 =	vld.idx.msk [tilespmem:v0+s4+$0x0], $0xffff  }
0x2b: {  	v1 =	vld.idx.msk [tilespmem:v1+s4+$0x0], $0xffff;
	_ =	sdelay $0x2  }
0x2c: {  	v2 =	vld.idx.msk [tilespmem:v2+s4+$0x0], $0xffff  }
0x2d: {  	v3 =	vld.idx.msk [tilespmem:v3+s4+$0x0], $0xffff;
	[tilespmem:s16+$0x80] =	vst v0  }
0x2e: {  	[tilespmem:s16+$0xFFFFFF80] =	vst v1;
	v0 =	vld [tilespmem:s15+$0x90]  }
0x2f: {  	v1 =	vld [tilespmem:s15+$0xFFFFFF90];
	_ =	sdelay $0x1  }
0x30: {  	[tilespmem:s16+$0x0] =	vst v2  }
0x31: {  	[tilespmem:s16+$0xFFFFFF00] =	vst v3;
	v2 =	vld [tilespmem:s15+$0x10]  }
0x32: {  	v3 =	vld [tilespmem:s15+$0xFFFFFF10];
	v0 =	vshrl.u32 v0, $0x1  }
0x33: {  	v1 =	vshrl.u32 v1, $0x1;
	_ =	sdelay $0x2  }
0x34: {  	v2 =	vshrl.u32 v2, $0x1  }
0x35: {  	v3 =	vshrl.u32 v3, $0x1;
	v0 =	vld.idx.msk [tilespmem:v0+s4+$0x0], $0xffff  }
0x36: {  	v1 =	vld.idx.msk [tilespmem:v1+s4+$0x0], $0xffff;
	_ =	sdelay $0x2  }
0x37: {  	v2 =	vld.idx.msk [tilespmem:v2+s4+$0x0], $0xffff  }
0x38: {  	v3 =	vld.idx.msk [tilespmem:v3+s4+$0x0], $0xffff;
	[tilespmem:s16+$0x90] =	vst v0  }
0x39: {  	[tilespmem:s16+$0xFFFFFF90] =	vst v1;
	v0 =	vld [tilespmem:s15+$0xA0]  }
0x3a: {  	v1 =	vld [tilespmem:s15+$0xFFFFFFA0];
	_ =	sdelay $0x1  }
0x3b: {  	[tilespmem:s16+$0x10] =	vst v2  }
0x3c: {  	[tilespmem:s16+$0xFFFFFF10] =	vst v3;
	v2 =	vld [tilespmem:s15+$0x20]  }
0x3d: {  	v3 =	vld [tilespmem:s15+$0xFFFFFF20];
	v0 =	vshrl.u32 v0, $0x1  }
0x3e: {  	v1 =	vshrl.u32 v1, $0x1;
	_ =	sdelay $0x2  }
0x3f: {  	v2 =	vshrl.u32 v2, $0x1  }
0x40: {  	v3 =	vshrl.u32 v3, $0x1;
	v0 =	vld.idx.msk [tilespmem:v0+s4+$0x0], $0xffff  }
0x41: {  	v1 =	vld.idx.msk [tilespmem:v1+s4+$0x0], $0xffff;
	_ =	sdelay $0x2  }
0x42: {  	v2 =	vld.idx.msk [tilespmem:v2+s4+$0x0], $0xffff  }
0x43: {  	v3 =	vld.idx.msk [tilespmem:v3+s4+$0x0], $0xffff;
	[tilespmem:s16+$0xA0] =	vst v0  }
0x44: {  	[tilespmem:s16+$0xFFFFFFA0] =	vst v1;
	v0 =	vld [tilespmem:s15+$0xB0]  }
0x45: {  	v1 =	vld [tilespmem:s15+$0xFFFFFFB0];
	_ =	sdelay $0x1  }
0x46: {  	s18 =	smul.u32 $0x28, s17  }
0x47: {  	[tilespmem:s16+$0x20] =	vst v2  }
0x48: {  	s20 =	sadd.s32 $0x28, s18;
	s21 =	sadd.s32 $0x4, s18;
	[tilespmem:s16+$0xFFFFFF20] =	vst v3;
	v2 =	vld [tilespmem:s15+$0x30];
	v0 =	vshrl.u32 v0, $0x1  }
0x49: {  	p2 =	slt.u32 s21, s20;
	v3 =	vld [tilespmem:s15+$0xFFFFFF30];
	v1 =	vshrl.u32 v1, $0x1  }
.Ltmp2:
0x4a: {  	_ = 	snop;
	(pc) =	sbr.rel @!p2 .LBB2_3-.Ltmp2, $3  }
0x4b: {  	_ =	sdelay $0x1  }
0x4c: {  	v8 =	vld.idx.msk [tilespmem:v0+s4+$0x0], $0xffff  }
0x4d: {  	s19 =	sadd.s32 $0x200, s15;
	p0 =	por $0x0, $0x0;
	p1 =	por $0x0, $0x0;
	v5 =	vshrl.u32 v2, $0x1;
	v7 =	vshrl.u32 v3, $0x1;
	v9 =	vld.idx.msk [tilespmem:v1+s4+$0x0], $0xffff  }
0x4e: {  	v0 =	vld [tilespmem:s19+$0x80]  }
0x4f: {  	v1 =	vld [tilespmem:s19+$0xFFFFFF80]  }
0x50: {  	v2 =	vld [tilespmem:s19+$0x0]  }
0x51: {  	v4 =	vld [tilespmem:s19+$0xFFFFFF00];
	[tilespmem:s16+$0xB0] =	vst v8  }
0x52: {  	v3 =	vld [tilespmem:s15+$0xC0]  }
0x53: {  	v0 =	vshrl.u32 v0, $0x1  }
0x54: {  	v1 =	vshrl.u32 v1, $0x1  }
0x55: {  	v6 =	vld.idx.msk [tilespmem:v7+s4+$0x0], $0xffff;
	v2 =	vshrl.u32 v2, $0x1  }
0x56: {  	v5 =	vld.idx.msk [tilespmem:v5+s4+$0x0], $0xffff;
	[tilespmem:s16+$0xFFFFFFB0] =	vst v9;
	v4 =	vshrl.u32 v4, $0x1  }
0x57: {  	v7 =	vld [tilespmem:s15+$0xFFFFFFC0];
	v3 =	vshrl.u32 v3, $0x1  }
0x58: {  	v0 =	vld.idx.msk [tilespmem:v0+s4+$0x0], $0xffff  }
0x59: {  	v1 =	vld.idx.msk [tilespmem:v1+s4+$0x0], $0xffff  }
0x5a: {  	v2 =	vld.idx.msk [tilespmem:v2+s4+$0x0], $0xffff  }
0x5b: {  	[tilespmem:s16+$0xFFFFFF30] =	vst v6;
	v4 =	vld.idx.msk [tilespmem:v4+s4+$0x0], $0xffff  }
0x5c: {  	s18 =	sadd.s32 $0x200, s16;
	[tilespmem:s16+$0x30] =	vst v5;
	v3 =	vld.idx.msk [tilespmem:v3+s4+$0x0], $0xffff  }
0x5d: {  	[tilespmem:s18+$0x80] =	vst v0;
	v0 =	vld [tilespmem:s15+$0xFFFFFF40]  }
0x5e: {  	[tilespmem:s18+$0xFFFFFF80] =	vst v1;
	v1 =	vld [tilespmem:s15+$0x40]  }
0x5f: {  	v5 =	vld [tilespmem:s19+$0x90]  }
0x60: {  	[tilespmem:s18+$0x0] =	vst v2;
	v6 =	vld [tilespmem:s19+$0xFFFFFF90]  }
0x61: {  	v2 =	vshrl.u32 v7, $0x1;
	[tilespmem:s18+$0xFFFFFF00] =	vst v4;
	v7 =	vld [tilespmem:s19+$0x10]  }
0x62: {  	v4 =	vld [tilespmem:s19+$0xFFFFFF10];
	[tilespmem:s16+$0xC0] =	vst v3;
	v0 =	vshrl.u32 v0, $0x1  }
0x63: {  	v3 =	vld [tilespmem:s15+$0xD0];
	v1 =	vshrl.u32 v1, $0x1  }
0x64: {  	v5 =	vshrl.u32 v5, $0x1  }
0x65: {  	v6 =	vshrl.u32 v6, $0x1  }
0x66: {  	v2 =	vld.idx.msk [tilespmem:v2+s4+$0x0], $0xffff;
	v7 =	vshrl.u32 v7, $0x1  }
0x67: {  	v4 =	vshrl.u32 v4, $0x1;
	v0 =	vld.idx.msk [tilespmem:v0+s4+$0x0], $0xffff  }
0x68: {  	v3 =	vshrl.u32 v3, $0x1;
	v1 =	vld.idx.msk [tilespmem:v1+s4+$0x0], $0xffff  }
0x69: {  	v5 =	vld.idx.msk [tilespmem:v5+s4+$0x0], $0xffff  }
0x6a: {  	v6 =	vld.idx.msk [tilespmem:v6+s4+$0x0], $0xffff  }
0x6b: {  	v7 =	vld.idx.msk [tilespmem:v7+s4+$0x0], $0xffff  }
0x6c: {  	[tilespmem:s16+$0xFFFFFFC0] =	vst v2;
	v4 =	vld.idx.msk [tilespmem:v4+s4+$0x0], $0xffff  }
0x6d: {  	v3 =	vld.idx.msk [tilespmem:v3+s4+$0x0], $0xffff;
	[tilespmem:s16+$0xFFFFFF40] =	vst v0  }
0x6e: {  	[tilespmem:s16+$0x40] =	vst v1;
	v0 =	vld [tilespmem:s15+$0xFFFFFF50]  }
0x6f: {  	[tilespmem:s18+$0x90] =	vst v5;
	v5 =	vld [tilespmem:s15+$0xFFFFFFD0]  }
0x70: {  	[tilespmem:s18+$0xFFFFFF90] =	vst v6;
	v2 =	vld [tilespmem:s19+$0xA0]  }
0x71: {  	[tilespmem:s18+$0x10] =	vst v7;
	v6 =	vld [tilespmem:s19+$0xFFFFFFA0]  }
0x72: {  	[tilespmem:s18+$0xFFFFFF10] =	vst v4;
	v7 =	vld [tilespmem:s19+$0x20]  }
0x73: {  	v1 =	vld [tilespmem:s19+$0xFFFFFF20];
	[tilespmem:s16+$0xD0] =	vst v3;
	v0 =	vshrl.u32 v0, $0x1  }
0x74: {  	v3 =	vld [tilespmem:s15+$0xE0];
	v4 =	vshrl.u32 v5, $0x1  }
0x75: {  	v5 =	vld [tilespmem:s15+$0x50];
	v2 =	vshrl.u32 v2, $0x1  }
0x76: {  	v6 =	vshrl.u32 v6, $0x1  }
0x77: {  	v7 =	vshrl.u32 v7, $0x1  }
0x78: {  	v1 =	vshrl.u32 v1, $0x1;
	v0 =	vld.idx.msk [tilespmem:v0+s4+$0x0], $0xffff  }
0x79: {  	v3 =	vshrl.u32 v3, $0x1;
	v4 =	vld.idx.msk [tilespmem:v4+s4+$0x0], $0xffff  }
0x7a: {  	v5 =	vshrl.u32 v5, $0x1;
	v2 =	vld.idx.msk [tilespmem:v2+s4+$0x0], $0xffff  }
0x7b: {  	v6 =	vld.idx.msk [tilespmem:v6+s4+$0x0], $0xffff  }
0x7c: {  	v7 =	vld.idx.msk [tilespmem:v7+s4+$0x0], $0xffff  }
0x7d: {  	v1 =	vld.idx.msk [tilespmem:v1+s4+$0x0], $0xffff  }
0x7e: {  	v3 =	vld.idx.msk [tilespmem:v3+s4+$0x0], $0xffff  }
0x7f: {  	[tilespmem:s18+$0xA0] =	vst v2;
	v2 =	vld.idx.msk [tilespmem:v5+s4+$0x0], $0xffff  }
0x80: {  	[tilespmem:s16+$0xFFFFFF50] =	vst v0;
	v0 =	vld [tilespmem:s19+$0xB0]  }
0x81: {  	[tilespmem:s18+$0xFFFFFFA0] =	vst v6;
	v5 =	vld [tilespmem:s15+$0xFFFFFF60]  }
0x82: {  	[tilespmem:s16+$0xFFFFFFD0] =	vst v4;
	v6 =	vld [tilespmem:s19+$0xFFFFFFB0]  }
0x83: {  	[tilespmem:s18+$0x20] =	vst v7;
	v9 =	vld [tilespmem:s15+$0xFFFFFFE0]  }
0x84: {  	[tilespmem:s18+$0xFFFFFF20] =	vst v1;
	v7 =	vld [tilespmem:s19+$0x30]  }
0x85: {  	[tilespmem:s16+$0xE0] =	vst v3;
	v3 =	vld [tilespmem:s19+$0xFFFFFF30];
	v0 =	vshrl.u32 v0, $0x1  }
0x86: {  	s23 =	sadd.s32 $0x4, s21;
	v1 =	vld [tilespmem:s15+$0xF0];
	[tilespmem:s16+$0x50] =	vst v2;
	v4 =	vshrl.u32 v5, $0x1  }
0x87: {  	p2 =	slt.u32 s23, s20;
	v10 =	vshrl.u32 v6, $0x1;
	v11 =	vld [tilespmem:s15+$0x60]  }
.Ltmp3:
0x88: {  	_ = 	snop;
	(pc) =	sbr.rel @!p2 .LBB2_5-.Ltmp3, $4  }
0x89: {  	_ = 	snop  }
0x8a: {  	v8 =	vld.idx.msk [tilespmem:v0+s4+$0x0], $0xffff  }
0x8b: {  	v5 =	vshrl.u32 v7, $0x1;
	v6 =	vshrl.u32 v9, $0x1;
	v0 =	vld.idx.msk [tilespmem:v4+s4+$0x0], $0xffff  }
0x8c: {  	s21 =	sadd.s32 $0x200, s19;
	p0 =	por $0x1, $0x1;
	v7 =	vshrl.u32 v3, $0x1;
	v2 =	vshrl.u32 v1, $0x1;
	v9 =	vld.idx.msk [tilespmem:v10+s4+$0x0], $0xffff;
	v4 =	vshrl.u32 v11, $0x1  }
0x8d: {  	_ =	sdelay $0x2  }
0x8e: {  	v1 =	vld [tilespmem:s21+$0x80]  }
0x8f: {  	v2 =	vld.idx.msk [tilespmem:v2+s4+$0x0], $0xffff  }
0x90: {  	v3 =	vld [tilespmem:s21+$0xFFFFFF80]  }
0x91: {  	v10 =	vld [tilespmem:s21+$0x0]  }
0x92: {  	v11 =	vld [tilespmem:s21+$0xFFFFFF00];
	[tilespmem:s18+$0xB0] =	vst v8  }
0x93: {  	v8 =	vld [tilespmem:s19+$0xC0]  }
0x94: {  	v7 =	vld.idx.msk [tilespmem:v7+s4+$0x0], $0xffff;
	v1 =	vshrl.u32 v1, $0x1  }
0x95: {  	v5 =	vld.idx.msk [tilespmem:v5+s4+$0x0], $0xffff;
	v3 =	vshrl.u32 v3, $0x1  }
0x96: {  	v6 =	vld.idx.msk [tilespmem:v6+s4+$0x0], $0xffff;
	[tilespmem:s18+$0xFFFFFFB0] =	vst v9;
	v9 =	vshrl.u32 v10, $0x1  }
0x97: {  	v4 =	vld.idx.msk [tilespmem:v4+s4+$0x0], $0xffff;
	v11 =	vshrl.u32 v11, $0x1  }
0x98: {  	v10 =	vld [tilespmem:s19+$0xFFFFFFC0];
	v8 =	vshrl.u32 v8, $0x1  }
0x99: {  	v1 =	vld.idx.msk [tilespmem:v1+s4+$0x0], $0xffff  }
0x9a: {  	v3 =	vld.idx.msk [tilespmem:v3+s4+$0x0], $0xffff  }
0x9b: {  	v9 =	vld.idx.msk [tilespmem:v9+s4+$0x0], $0xffff  }
0x9c: {  	[tilespmem:s18+$0xFFFFFF30] =	vst v7;
	v7 =	vld.idx.msk [tilespmem:v11+s4+$0x0], $0xffff  }
0x9d: {  	s22 =	sadd.s32 $0x200, s18;
	[tilespmem:s18+$0x30] =	vst v5;
	v8 =	vld.idx.msk [tilespmem:v8+s4+$0x0], $0xffff  }
0x9e: {  	[tilespmem:s22+$0x80] =	vst v1;
	v1 =	vld [tilespmem:s19+$0xFFFFFF40]  }
0x9f: {  	[tilespmem:s22+$0xFFFFFF80] =	vst v3;
	v3 =	vld [tilespmem:s19+$0x40]  }
0xa0: {  	v10 =	vshrl.u32 v10, $0x1;
	v5 =	vld [tilespmem:s21+$0x90]  }
0xa1: {  	[tilespmem:s22+$0x0] =	vst v9;
	v11 =	vld [tilespmem:s21+$0xFFFFFF90]  }
0xa2: {  	[tilespmem:s22+$0xFFFFFF00] =	vst v7;
	v9 =	vld [tilespmem:s21+$0x10]  }
0xa3: {  	[tilespmem:s18+$0xC0] =	vst v8;
	v8 =	vld [tilespmem:s21+$0xFFFFFF10];
	v1 =	vshrl.u32 v1, $0x1  }
0xa4: {  	v7 =	vld [tilespmem:s19+$0xD0];
	v3 =	vshrl.u32 v3, $0x1  }
0xa5: {  	[tilespmem:s16+$0xFFFFFF60] =	vst v0;
	v0 =	vld.idx.msk [tilespmem:v10+s4+$0x0], $0xffff;
	v5 =	vshrl.u32 v5, $0x1  }
0xa6: {  	[tilespmem:s16+$0xFFFFFFE0] =	vst v6;
	v10 =	vld [tilespmem:s15+$0xFFFFFF70];
	v6 =	vshrl.u32 v11, $0x1  }
0xa7: {  	v9 =	vshrl.u32 v9, $0x1;
	v11 =	vld [tilespmem:s15+$0xFFFFFFF0]  }
0xa8: {  	v8 =	vshrl.u32 v8, $0x1;
	v1 =	vld.idx.msk [tilespmem:v1+s4+$0x0], $0xffff  }
0xa9: {  	v7 =	vshrl.u32 v7, $0x1;
	v3 =	vld.idx.msk [tilespmem:v3+s4+$0x0], $0xffff  }
0xaa: {  	v5 =	vld.idx.msk [tilespmem:v5+s4+$0x0], $0xffff  }
0xab: {  	v6 =	vld.idx.msk [tilespmem:v6+s4+$0x0], $0xffff  }
0xac: {  	v9 =	vld.idx.msk [tilespmem:v9+s4+$0x0], $0xffff  }
0xad: {  	[tilespmem:s18+$0xFFFFFFC0] =	vst v0;
	v8 =	vld.idx.msk [tilespmem:v8+s4+$0x0], $0xffff  }
0xae: {  	v7 =	vld.idx.msk [tilespmem:v7+s4+$0x0], $0xffff;
	[tilespmem:s18+$0xFFFFFF40] =	vst v1  }
0xaf: {  	[tilespmem:s18+$0x40] =	vst v3;
	v1 =	vld [tilespmem:s19+$0xFFFFFF50]  }
0xb0: {  	[tilespmem:s22+$0x90] =	vst v5;
	v5 =	vld [tilespmem:s19+$0xFFFFFFD0]  }
0xb1: {  	[tilespmem:s22+$0xFFFFFF90] =	vst v6;
	v0 =	vld [tilespmem:s21+$0xA0]  }
0xb2: {  	[tilespmem:s22+$0x10] =	vst v9;
	v6 =	vld [tilespmem:s21+$0xFFFFFFA0]  }
0xb3: {  	v9 =	vshrl.u32 v10, $0x1;
	v10 =	vld [tilespmem:s21+$0x20];
	[tilespmem:s22+$0xFFFFFF10] =	vst v8  }
0xb4: {  	[tilespmem:s18+$0xD0] =	vst v7;
	v3 =	vld [tilespmem:s21+$0xFFFFFF20];
	v1 =	vshrl.u32 v1, $0x1  }
0xb5: {  	[tilespmem:s16+$0x60] =	vst v4;
	v7 =	vld [tilespmem:s19+$0xE0];
	v4 =	vshrl.u32 v5, $0x1  }
0xb6: {  	v5 =	vld [tilespmem:s19+$0x50];
	v0 =	vshrl.u32 v0, $0x1  }
0xb7: {  	v8 =	vld [tilespmem:s15+$0x70];
	v6 =	vshrl.u32 v6, $0x1  }
0xb8: {  	v9 =	vld.idx.msk [tilespmem:v9+s4+$0x0], $0xffff;
	v10 =	vshrl.u32 v10, $0x1  }
0xb9: {  	v3 =	vshrl.u32 v3, $0x1;
	v1 =	vld.idx.msk [tilespmem:v1+s4+$0x0], $0xffff  }
0xba: {  	v7 =	vshrl.u32 v7, $0x1;
	v4 =	vld.idx.msk [tilespmem:v4+s4+$0x0], $0xffff  }
0xbb: {  	v5 =	vshrl.u32 v5, $0x1;
	v0 =	vld.idx.msk [tilespmem:v0+s4+$0x0], $0xffff  }
0xbc: {  	v6 =	vld.idx.msk [tilespmem:v6+s4+$0x0], $0xffff  }
0xbd: {  	v10 =	vld.idx.msk [tilespmem:v10+s4+$0x0], $0xffff  }
0xbe: {  	v3 =	vld.idx.msk [tilespmem:v3+s4+$0x0], $0xffff  }
0xbf: {  	v7 =	vld.idx.msk [tilespmem:v7+s4+$0x0], $0xffff;
	[tilespmem:s18+$0xFFFFFF50] =	vst v1  }
0xc0: {  	[tilespmem:s22+$0xA0] =	vst v0;
	v0 =	vld.idx.msk [tilespmem:v5+s4+$0x0], $0xffff  }
0xc1: {  	[tilespmem:s18+$0xFFFFFFD0] =	vst v4;
	v5 =	vld [tilespmem:s19+$0xFFFFFF60]  }
0xc2: {  	[tilespmem:s22+$0xFFFFFFA0] =	vst v6;
	v1 =	vld [tilespmem:s21+$0xB0]  }
0xc3: {  	[tilespmem:s22+$0x20] =	vst v10;
	v6 =	vld [tilespmem:s21+$0xFFFFFFB0]  }
0xc4: {  	v10 =	vshrl.u32 v11, $0x1;
	v13 =	vld [tilespmem:s19+$0xFFFFFFE0];
	[tilespmem:s18+$0xE0] =	vst v7  }
0xc5: {  	[tilespmem:s22+$0xFFFFFF20] =	vst v3;
	v7 =	vshrl.u32 v8, $0x1;
	v12 =	vld [tilespmem:s19+$0xF0]  }
0xc6: {  	v11 =	vld [tilespmem:s21+$0x30];
	[tilespmem:s18+$0x50] =	vst v0;
	v0 =	vshrl.u32 v5, $0x1  }
0xc7: {  	s24 =	sadd.s32 $0x4, s23;
	v4 =	vld [tilespmem:s21+$0xFFFFFF30];
	v8 =	vshrl.u32 v1, $0x1  }
0xc8: {  	p2 =	slt.u32 s24, s20;
	v14 =	vshrl.u32 v6, $0x1;
	v15 =	vld [tilespmem:s19+$0x60]  }
.Ltmp4:
0xc9: {  	v1 =	vld.idx.msk [tilespmem:v10+s4+$0x0], $0xffff;
	(pc) =	sbr.rel @!p2 .LBB2_7-.Ltmp4, $4  }
0xca: {  	[tilespmem:s16+$0xF0] =	vst v2;
	v3 =	vld.idx.msk [tilespmem:v7+s4+$0x0], $0xffff;
	v2 =	vshrl.u32 v12, $0x1  }
0xcb: {  	v0 =	vld.idx.msk [tilespmem:v0+s4+$0x0], $0xffff  }
0xcc: {  	v5 =	vshrl.u32 v11, $0x1;
	v8 =	vld.idx.msk [tilespmem:v8+s4+$0x0], $0xffff  }
0xcd: {  	s25 =	sadd.s32 $0x200, s21;
	p1 =	por $0x1, $0x1;
	s23 =	smov.u32 s16;
	[tilespmem:s16+$0xFFFFFF70] =	vst v9;
	v6 =	vshrl.u32 v13, $0x1;
	v7 =	vshrl.u32 v4, $0x1;
	v9 =	vld.idx.msk [tilespmem:v14+s4+$0x0], $0xffff;
	v4 =	vshrl.u32 v15, $0x1  }
.LBB2_8:
0xce: {  	v10 =	vld [tilespmem:s25+$0x80];
	s24 =	sadd.s32 $0x4, s24  }
0xcf: {  	p2 =	slt.u32 s24, s20;
	v2 =	vld.idx.msk [tilespmem:v2+s4+$0x0], $0xffff;
	[tilespmem:s23+$0xFFFFFFF0] =	vst v1  }
0xd0: {  	v1 =	vld [tilespmem:s25+$0xFFFFFF80];
	[tilespmem:s23+$0x70] =	vst v3;
	s23 =	smov.u32 s18;
	s18 =	smov.u32 s22  }
0xd1: {  	v3 =	vld [tilespmem:s25+$0x0];
	[tilespmem:s22+$0xB0] =	vst v8  }
0xd2: {  	v8 =	vld [tilespmem:s21+$0xC0];
	[tilespmem:s23+$0xFFFFFF60] =	vst v0  }
0xd3: {  	v0 =	vld [tilespmem:s25+$0xFFFFFF00];
	v10 =	vshrl.u32 v10, $0x1;
	[tilespmem:s22+$0xFFFFFFB0] =	vst v9  }
0xd4: {  	v7 =	vld.idx.msk [tilespmem:v7+s4+$0x0], $0xffff  }
0xd5: {  	v1 =	vshrl.u32 v1, $0x1;
	v5 =	vld.idx.msk [tilespmem:v5+s4+$0x0], $0xffff;
	[tilespmem:s23+$0xF0] =	vst v2  }
0xd6: {  	v2 =	vshrl.u32 v3, $0x1;
	v3 =	vld [tilespmem:s21+$0xFFFFFFC0]  }
0xd7: {  	v8 =	vshrl.u32 v8, $0x1;
	v6 =	vld.idx.msk [tilespmem:v6+s4+$0x0], $0xffff  }
0xd8: {  	v0 =	vshrl.u32 v0, $0x1;
	v9 =	vld.idx.msk [tilespmem:v10+s4+$0x0], $0xffff  }
0xd9: {  	v4 =	vld.idx.msk [tilespmem:v4+s4+$0x0], $0xffff  }
0xda: {  	v1 =	vld.idx.msk [tilespmem:v1+s4+$0x0], $0xffff;
	[tilespmem:s22+$0xFFFFFF30] =	vst v7  }
0xdb: {  	v2 =	vld.idx.msk [tilespmem:v2+s4+$0x0], $0xffff;
	v3 =	vshrl.u32 v3, $0x1;
	[tilespmem:s22+$0x30] =	vst v5  }
0xdc: {  	v5 =	vld.idx.msk [tilespmem:v8+s4+$0x0], $0xffff  }
0xdd: {  	s22 =	sadd.s32 $0x200, s22;
	v0 =	vld.idx.msk [tilespmem:v0+s4+$0x0], $0xffff;
	[tilespmem:s23+$0xFFFFFFE0] =	vst v6  }
0xde: {  	[tilespmem:s22+$0x80] =	vst v9;
	v6 =	vld [tilespmem:s21+$0xFFFFFF40]  }
0xdf: {  	v7 =	vld [tilespmem:s25+$0x90];
	[tilespmem:s23+$0x60] =	vst v4  }
0xe0: {  	[tilespmem:s22+$0xFFFFFF80] =	vst v1;
	v1 =	vld [tilespmem:s21+$0x40]  }
0xe1: {  	v4 =	vld [tilespmem:s25+$0xFFFFFF90];
	[tilespmem:s22+$0x0] =	vst v2  }
0xe2: {  	v2 =	vld [tilespmem:s25+$0x10];
	[tilespmem:s18+$0xC0] =	vst v5  }
0xe3: {  	[tilespmem:s22+$0xFFFFFF00] =	vst v0;
	v0 =	vshrl.u32 v6, $0x1;
	v5 =	vld [tilespmem:s21+$0xD0]  }
0xe4: {  	v6 =	vld [tilespmem:s25+$0xFFFFFF10];
	v7 =	vshrl.u32 v7, $0x1  }
0xe5: {  	v3 =	vld.idx.msk [tilespmem:v3+s4+$0x0], $0xffff;
	v1 =	vshrl.u32 v1, $0x1  }
0xe6: {  	v4 =	vshrl.u32 v4, $0x1;
	v8 =	vld [tilespmem:s19+$0xFFFFFF70]  }
0xe7: {  	v2 =	vshrl.u32 v2, $0x1;
	v9 =	vld [tilespmem:s19+$0xFFFFFFF0]  }
0xe8: {  	v0 =	vld.idx.msk [tilespmem:v0+s4+$0x0], $0xffff;
	v5 =	vshrl.u32 v5, $0x1  }
0xe9: {  	v6 =	vshrl.u32 v6, $0x1;
	v7 =	vld.idx.msk [tilespmem:v7+s4+$0x0], $0xffff  }
0xea: {  	v1 =	vld.idx.msk [tilespmem:v1+s4+$0x0], $0xffff  }
0xeb: {  	v4 =	vld.idx.msk [tilespmem:v4+s4+$0x0], $0xffff;
	[tilespmem:s18+$0xFFFFFFC0] =	vst v3;
	v3 =	vshrl.u32 v8, $0x1  }
0xec: {  	v2 =	vld.idx.msk [tilespmem:v2+s4+$0x0], $0xffff;
	v8 =	vshrl.u32 v9, $0x1  }
0xed: {  	v5 =	vld.idx.msk [tilespmem:v5+s4+$0x0], $0xffff  }
0xee: {  	v6 =	vld.idx.msk [tilespmem:v6+s4+$0x0], $0xffff;
	[tilespmem:s18+$0xFFFFFF40] =	vst v0  }
0xef: {  	[tilespmem:s22+$0x90] =	vst v7;
	v0 =	vld [tilespmem:s21+$0xFFFFFF50]  }
0xf0: {  	v7 =	vld [tilespmem:s25+$0xA0];
	[tilespmem:s18+$0x40] =	vst v1  }
0xf1: {  	[tilespmem:s22+$0xFFFFFF90] =	vst v4;
	v1 =	vld [tilespmem:s21+$0xFFFFFFD0]  }
0xf2: {  	v4 =	vld [tilespmem:s25+$0xFFFFFFA0];
	[tilespmem:s22+$0x10] =	vst v2  }
0xf3: {  	v2 =	vld [tilespmem:s25+$0x20];
	[tilespmem:s18+$0xD0] =	vst v5  }
0xf4: {  	[tilespmem:s22+$0xFFFFFF10] =	vst v6;
	v0 =	vshrl.u32 v0, $0x1;
	v5 =	vld [tilespmem:s21+$0xE0]  }
0xf5: {  	v6 =	vld [tilespmem:s25+$0xFFFFFF20];
	v7 =	vshrl.u32 v7, $0x1  }
0xf6: {  	v1 =	vshrl.u32 v1, $0x1;
	v9 =	vld [tilespmem:s21+$0x50]  }
0xf7: {  	v4 =	vshrl.u32 v4, $0x1;
	v10 =	vld [tilespmem:s19+$0x70];
	s19 =	smov.u32 s21;
	s21 =	smov.u32 s25  }
0xf8: {  	v2 =	vshrl.u32 v2, $0x1;
	v3 =	vld.idx.msk [tilespmem:v3+s4+$0x0], $0xffff  }
0xf9: {  	v0 =	vld.idx.msk [tilespmem:v0+s4+$0x0], $0xffff;
	v5 =	vshrl.u32 v5, $0x1  }
0xfa: {  	v6 =	vshrl.u32 v6, $0x1;
	v7 =	vld.idx.msk [tilespmem:v7+s4+$0x0], $0xffff  }
0xfb: {  	v1 =	vld.idx.msk [tilespmem:v1+s4+$0x0], $0xffff;
	v9 =	vshrl.u32 v9, $0x1  }
0xfc: {  	v4 =	vld.idx.msk [tilespmem:v4+s4+$0x0], $0xffff;
	v10 =	vshrl.u32 v10, $0x1  }
0xfd: {  	v2 =	vld.idx.msk [tilespmem:v2+s4+$0x0], $0xffff  }
0xfe: {  	v5 =	vld.idx.msk [tilespmem:v5+s4+$0x0], $0xffff;
	[tilespmem:s23+$0xFFFFFF70] =	vst v3  }
0xff: {  	v3 =	vld.idx.msk [tilespmem:v6+s4+$0x0], $0xffff;
	[tilespmem:s18+$0xFFFFFF50] =	vst v0  }
0x100: {  	[tilespmem:s22+$0xA0] =	vst v7;
	v0 =	vld.idx.msk [tilespmem:v9+s4+$0x0], $0xffff  }
0x101: {  	v6 =	vld [tilespmem:s25+$0xB0];
	[tilespmem:s18+$0xFFFFFFD0] =	vst v1  }
0x102: {  	[tilespmem:s22+$0xFFFFFFA0] =	vst v4;
	v1 =	vld [tilespmem:s19+$0xFFFFFF60]  }
0x103: {  	v4 =	vld [tilespmem:s25+$0xFFFFFFB0];
	[tilespmem:s22+$0x20] =	vst v2  }
0x104: {  	v2 =	vld [tilespmem:s25+$0x30];
	[tilespmem:s18+$0xE0] =	vst v5  }
0x105: {  	[tilespmem:s22+$0xFFFFFF20] =	vst v3;
	v3 =	vld [tilespmem:s19+$0xF0]  }
0x106: {  	v7 =	vld [tilespmem:s25+$0xFFFFFF30];
	v6 =	vshrl.u32 v6, $0x1;
	[tilespmem:s18+$0x50] =	vst v0  }
0x107: {  	v0 =	vshrl.u32 v1, $0x1;
	v9 =	vld [tilespmem:s19+$0xFFFFFFE0]  }
0x108: {  	v4 =	vshrl.u32 v4, $0x1;
	v11 =	vld [tilespmem:s19+$0x60]  }
.Ltmp5:
0x109: {  	v5 =	vshrl.u32 v2, $0x1;
	v1 =	vld.idx.msk [tilespmem:v8+s4+$0x0], $0xffff;
	(pc) =	sbr.rel @p2 .LBB2_8-.Ltmp5, $4  }
0x10a: {  	v2 =	vshrl.u32 v3, $0x1;
	v3 =	vld.idx.msk [tilespmem:v10+s4+$0x0], $0xffff  }
0x10b: {  	v7 =	vshrl.u32 v7, $0x1;
	v8 =	vld.idx.msk [tilespmem:v6+s4+$0x0], $0xffff  }
0x10c: {  	v0 =	vld.idx.msk [tilespmem:v0+s4+$0x0], $0xffff;
	v6 =	vshrl.u32 v9, $0x1  }
0x10d: {  	s25 =	sadd.s32 $0x200, s25;
	v9 =	vld.idx.msk [tilespmem:v4+s4+$0x0], $0xffff;
	v4 =	vshrl.u32 v11, $0x1  }
0x10e: {  	s20 =	smov.u32 s18;
	s18 =	smov.u32 s22  }
.LBB2_10:
0x10f: {  	_ =	sdelay $0x3  }
0x110: {  	v7 =	vld.idx.msk [tilespmem:v7+s4+$0x0], $0xffff;
	_ =	sdelay $0x1  }
0x111: {  	v5 =	vld.idx.msk [tilespmem:v5+s4+$0x0], $0xffff  }
0x112: {  	[tilespmem:s18+$0xB0] =	vst v8  }
0x113: {  	v8 =	vld [tilespmem:s21+$0xC0];
	[tilespmem:s18+$0xFFFFFFB0] =	vst v9  }
0x114: {  	v9 =	vld [tilespmem:s21+$0xFFFFFFC0];
	[tilespmem:s18+$0xFFFFFF30] =	vst v7  }
0x115: {  	v7 =	vld [tilespmem:s21+$0xFFFFFF40]  }
0x116: {  	[tilespmem:s18+$0x30] =	vst v5  }
0x117: {  	v5 =	vld [tilespmem:s21+$0x40]  }
0x118: {  	v8 =	vshrl.u32 v8, $0x1  }
0x119: {  	v9 =	vshrl.u32 v9, $0x1  }
0x11a: {  	v7 =	vshrl.u32 v7, $0x1;
	_ =	sdelay $0x1  }
0x11b: {  	v5 =	vshrl.u32 v5, $0x1  }
0x11c: {  	v8 =	vld.idx.msk [tilespmem:v8+s4+$0x0], $0xffff  }
0x11d: {  	v9 =	vld.idx.msk [tilespmem:v9+s4+$0x0], $0xffff  }
0x11e: {  	v7 =	vld.idx.msk [tilespmem:v7+s4+$0x0], $0xffff;
	_ =	sdelay $0x1  }
0x11f: {  	v5 =	vld.idx.msk [tilespmem:v5+s4+$0x0], $0xffff  }
0x120: {  	[tilespmem:s18+$0xC0] =	vst v8  }
0x121: {  	v8 =	vld [tilespmem:s21+$0xD0];
	[tilespmem:s18+$0xFFFFFFC0] =	vst v9  }
0x122: {  	v51 =	vld [tilespmem:s21+$0xFFFFFFD0];
	[tilespmem:s18+$0xFFFFFF40] =	vst v7  }
0x123: {  	v7 =	vld [tilespmem:s21+$0xFFFFFF50]  }
0x124: {  	[tilespmem:s18+$0x40] =	vst v5  }
0x125: {  	v52 =	vld [tilespmem:s21+$0x50]  }
0x126: {  	v8 =	vshrl.u32 v8, $0x1  }
0x127: {  	v5 =	vshrl.u32 v51, $0x1  }
0x128: {  	v7 =	vshrl.u32 v7, $0x1;
	_ =	sdelay $0x1  }
0x129: {  	v9 =	vshrl.u32 v52, $0x1  }
0x12a: {  	v8 =	vld.idx.msk [tilespmem:v8+s4+$0x0], $0xffff  }
0x12b: {  	v5 =	vld.idx.msk [tilespmem:v5+s4+$0x0], $0xffff  }
0x12c: {  	v7 =	vld.idx.msk [tilespmem:v7+s4+$0x0], $0xffff;
	_ =	sdelay $0x1  }
0x12d: {  	v9 =	vld.idx.msk [tilespmem:v9+s4+$0x0], $0xffff  }
0x12e: {  	[tilespmem:s18+$0xD0] =	vst v8  }
0x12f: {  	v8 =	vld [tilespmem:s21+$0xE0];
	[tilespmem:s18+$0xFFFFFFD0] =	vst v5  }
0x130: {  	v54 =	vld [tilespmem:s21+$0xFFFFFFE0];
	[tilespmem:s18+$0xFFFFFF50] =	vst v7  }
0x131: {  	v53 =	vld [tilespmem:s21+$0xFFFFFF60]  }
0x132: {  	v6 =	vld.idx.msk @p0 [tilespmem:v6+s4+$0x0], $0xffff;
	[tilespmem:s18+$0x50] =	vst v9  }
0x133: {  	v9 =	vld [tilespmem:s21+$0x60]  }
0x134: {  	v8 =	vshrl.u32 v8, $0x1  }
0x135: {  	v55 =	vshrl.u32 v54, $0x1  }
0x136: {  	[tilespmem:s20+$0xFFFFFF60] =	vst @p0 v0;
	v0 =	vld.idx.msk @p0 [tilespmem:v4+s4+$0x0], $0xffff;
	v5 =	vshrl.u32 v53, $0x1  }
0x137: {  	[tilespmem:s20+$0xFFFFFFE0] =	vst @p0 v6;
	v6 =	vld @p0 [tilespmem:s19+$0xFFFFFF70]  }
0x138: {  	v56 =	vshrl.u32 v9, $0x1;
	v9 =	vld @p0 [tilespmem:s19+$0xFFFFFFF0]  }
0x139: {  	v8 =	vld.idx.msk [tilespmem:v8+s4+$0x0], $0xffff  }
0x13a: {  	v4 =	vld.idx.msk [tilespmem:v55+s4+$0x0], $0xffff  }
0x13b: {  	v5 =	vld.idx.msk [tilespmem:v5+s4+$0x0], $0xffff;
	_ =	sdelay $0x1  }
0x13c: {  	[tilespmem:s20+$0x60] =	vst @p0 v0;
	v57 =	vld.idx.msk [tilespmem:v56+s4+$0x0], $0xffff  }
0x13d: {  	v7 =	vld @p0 [tilespmem:s19+$0x70];
	[tilespmem:s18+$0xE0] =	vst v8  }
0x13e: {  	v8 =	vld [tilespmem:s21+$0xF0];
	[tilespmem:s18+$0xFFFFFFE0] =	vst v4  }
0x13f: {  	v59 =	vld [tilespmem:s21+$0xFFFFFFF0];
	[tilespmem:s18+$0xFFFFFF60] =	vst v5;
	v5 =	vshrl.u32 @p0 v6, $0x1;
	v6 =	vshrl.u32 @p0 v9, $0x1;
	_ =	sdelay $0x1  }
0x140: {  	[tilespmem:s18+$0x60] =	vst v57;
	v58 =	vld [tilespmem:s21+$0xFFFFFF70]  }
0x141: {  	v7 =	vshrl.u32 @p0 v7, $0x1;
	v60 =	vld [tilespmem:s21+$0x70]  }
0x142: {  	v8 =	vshrl.u32 v8, $0x1  }
0x143: {  	v0 =	vshrl.u32 v59, $0x1;
	v6 =	vld.idx.msk @p0 [tilespmem:v6+s4+$0x0], $0xffff  }
0x144: {  	v2 =	vld.idx.msk @p0 [tilespmem:v2+s4+$0x0], $0xffff  }
0x145: {  	v5 =	vld.idx.msk @p0 [tilespmem:v5+s4+$0x0], $0xffff;
	v4 =	vshrl.u32 v58, $0x1  }
0x146: {  	v7 =	vld.idx.msk @p0 [tilespmem:v7+s4+$0x0], $0xffff;
	v9 =	vshrl.u32 v60, $0x1  }
0x147: {  	v61 =	vld.idx.msk [tilespmem:v8+s4+$0x0], $0xffff  }
0x148: {  	[tilespmem:s23+$0x70] =	vst @p1 v3;
	v3 =	vpsel p0, v6, v0;
	v0 =	vld.idx.msk [tilespmem:v0+s4+$0x0], $0xffff  }
0x149: {  	[tilespmem:s20+$0xF0] =	vst @p0 v2  }
0x14a: {  	s19 =	smov.u32 @p0 s20;
	[tilespmem:s20+$0xFFFFFF70] =	vst @p0 v5;
	v62 =	vld.idx.msk [tilespmem:v4+s4+$0x0], $0xffff  }
0x14b: {  	[tilespmem:s19+$0xFFFFFFF0] =	vst @p0 v3;
	v63 =	vld.idx.msk [tilespmem:v9+s4+$0x0], $0xffff  }
0x14c: {  	s30 =	smul.u32 $0x28000, s17;
	[tilespmem:s18+$0xF0] =	vst v61  }
0x14d: {  	s31 =	smul.u32 $0x5000, s17;
	s17 =	sadd.s32 $0x1, s17;
	v4 =	vpsel p0, v7, v0;
	[tilespmem:s18+$0xFFFFFFF0] =	vst v0  }
0x14e: {  	[tilespmem:s19+$0x70] =	vst @p0 v4;
	p0 =	seq.s32 s17, $0x5  }
.Ltmp6:
0x14f: {  	[tilespmem:s18+$0xFFFFFF70] =	vst v62;
	(pc) =	sbr.rel @!p0 .LBB2_2-.Ltmp6, $4  }
.Ltmp7:
0x150: {  	[tilespmem:s18+$0x70] =	vst v63;
	s18 =	sor.u32 s5, s30;
	(pc) =	sbr.rel @p0 .LBB2_11-.Ltmp7, $4  }
0x151: {  	s15 =	sadd.s32 $0x1400, s15;
	s19 =	sshra.s32 s31, $0x2;
	s18 =	sshrl.u32 s18, $0x3  }
0x152: {  	[tilespmem:s23+$0xFFFFFFF0] =	vst @p1 v1;
	s16 =	sadd.s32 $0x1400, s16;
	s19 =	sadd.s32 $0x12780, s19;
	s18 =	sadd.s32 s3, s18  }
0x153: {  	[hbm4b:s18+s8] =	stream.strided.scatter [tilespmem:s19], [sflag:$0x3], $0x1400, s9, s8, $0x38;
	[tilespmem:$0x18B80] =	vst v63  }
0x154: {  	_ = 	snop  }
.LBB2_3:
.Ltmp8:
0x155: {  	(pc) =	sbr.rel .LBB2_10-.Ltmp8, $2  }
0x156: {  	_ =	sdelay $0x2  }
0x157: {  	s18 =	smov.u32 s16;
	s21 =	smov.u32 s15  }
.LBB2_5:
.Ltmp9:
0x158: {  	(pc) =	sbr.rel .LBB2_10-.Ltmp9, $2  }
0x159: {  	_ =	sdelay $0x2  }
0x15a: {  	s21 =	smov.u32 s19;
	s20 =	smov.u32 s16;
	s19 =	smov.u32 s15  }
.LBB2_7:
.Ltmp10:
0x15b: {  	(pc) =	sbr.rel .LBB2_10-.Ltmp10, $2  }
0x15c: {  	_ =	sdelay $0x2  }
0x15d: {  	s20 =	smov.u32 s18;
	s23 =	smov.u32 s16;
	s18 =	smov.u32 s22  }
.LBB2_12:
0x15e: {  	_ =	sfence.sel $0x180000  }
0x15f: {  	[bflag:$0x0] =	sbarrier.arrive $0xFFFF  }
0x160: {  	p0 =	sne.s32 s2, $0x0;
	_ =	strace $0x90000047  }
0x161: {  	s0 =	sadd.s32 @!p0 $0x100000, s0;
	[bflag:$0x2] =	sbarrier.arrive $0xFFFF  }
0x162: {  	[sflag:s0] =	ssyncadd.tile.s32 @!p0 $0x1;
	_ =	shalt  }
.Lfunc_end2:
_tile_overlayer_lowered:
.L_overlay_start_2:
0x163: {  	(tag) =	ssettag $0x2  }
0x164: {  	s0 =	rddreg [dreg:$0x0];
	s2 =	stileid.u32  }
0x165: {  	s1 =	rddreg [dreg:$0x1];
	p0 =	sne.s32 s2, $0x0  }
0x166: {  	s3 =	rddreg [dreg:$0x2];
	[bflag:$0x3] =	sbarrier.arrive $0xFFFF;
	s2 =	simm.s32 @!p0 $0x1C04  }
0x167: {  	[timem:s3], [sflag:s2] =	dma.local @!p0 [hbm:s0], s1  }
0x168: {  	s0 =	simm.s32 @!p0 $0x4  }
0x169: {  	_ =	swait.ge @!p0 [sflag:s0], s1  }
0x16a: {  	s1 =	ssub.s32 @!p0 $0x0, s1;
	[sflag:s0] =	ssyncset.done @!p0 $0x0  }
0x16b: {  	[sflag:s0] =	ssyncadd.s32 @!p0 s1  }
0x16c: {  	[bflag:$0x3] =	sbarrier.arrive $0xFFFF  }
0x16d: {  	_ =	shalt  }

</sc_bundles>
